<compile_context>
chip_gen: v7x
topology: tpu7x:2x2x1
jax: 0.10.2.dev20260603
libtpu: 0.0.44.dev20260713+nightly
codegen_flags: <defaults>
</compile_context>

<pallas_src>
import functools

import jax
import jax.numpy as jnp
from jax import lax
from jax.experimental import pallas as pl
from jax.experimental.pallas import tpu as pltpu
from jax.experimental.pallas import tpu_sc as plsc

_N_NODES = 1000000
_N_UPD = 4194304
_ACC = 1 << 20
_N_TILES = 16
_W = 4096
_PER_TILE = _N_UPD // _N_TILES
_N_WIN = _PER_TILE // _W
_ACC_SLICE = _ACC // _N_TILES


def _sc_scatter(node_strengths, node_indices):
    mesh = plsc.VectorSubcoreMesh(core_axis_name="c", subcore_axis_name="s")

    @functools.partial(
        pl.kernel,
        out_type=(
            jax.ShapeDtypeStruct((_ACC,), jnp.float32),
            jax.ShapeDtypeStruct((_ACC,), jnp.float32),
        ),
        mesh=mesh,
        scratch_types=[
            pltpu.VMEM_SHARED((_ACC,), jnp.float32),
            pltpu.VMEM((_W,), jnp.int32),
            pltpu.VMEM((_W,), jnp.int32),
            pltpu.VMEM((_W,), jnp.float32),
            pltpu.VMEM((_W,), jnp.float32),
            pltpu.SemaphoreType.DMA,
            pltpu.SemaphoreType.DMA,
            pltpu.SemaphoreType.DMA,
            pltpu.SemaphoreType.DMA,
            pltpu.SemaphoreType.DMA,
            pltpu.SemaphoreType.DMA,
        ],
    )
    def scatter_kernel(vals_hbm, idx_hbm, sums_hbm, counts_hbm,
                       acc_sh, idx0, idx1, val0, val1,
                       sem_i0, sem_i1, sem_v0, sem_v1, sem_s0, sem_s1):
        cid = lax.axis_index("c")
        sid = lax.axis_index("s")
        upd_base = sid * _PER_TILE
        acc_base = sid * _ACC_SLICE

        def idx_copy(w, buf, sem):
            return pltpu.make_async_copy(
                idx_hbm.at[pl.ds(upd_base + w * _W, _W)], buf, sem)

        def val_copy(w, buf, sem):
            return pltpu.make_async_copy(
                vals_hbm.at[pl.ds(upd_base + w * _W, _W)], buf, sem)

        idx_copy(0, idx0, sem_i0).start()
        idx_copy(1, idx1, sem_i1).start()

        @pl.loop(0, _W, step=16)
        def _(i):
            val0[pl.ds(i, 16)] = jnp.zeros((16,), jnp.float32)

        @pl.loop(0, _ACC_SLICE, step=_W)
        def _(j):
            pltpu.sync_copy(val0, acc_sh.at[pl.ds(acc_base + j, _W)])

        @pl.when(cid == 0)
        def _():
            val_copy(0, val0, sem_v0).start()
            val_copy(1, val1, sem_v1).start()

        @pl.when(cid == 1)
        def _():
            @pl.loop(0, _W, step=16)
            def _(i):
                val0[pl.ds(i, 16)] = jnp.full((16,), 1.0, jnp.float32)

        plsc.subcore_barrier()

        @pl.loop(0, _N_WIN, step=2)
        def _(w):
            idx_copy(w, idx0, sem_i0).wait()

            @pl.when(cid == 0)
            def _():
                val_copy(w, val0, sem_v0).wait()
                pltpu.sync_copy(val0, acc_sh.at[idx0], add=True)

            @pl.when(cid == 1)
            def _():
                pltpu.sync_copy(val0, acc_sh.at[idx0], add=True)

            @pl.when(w + 2 < _N_WIN)
            def _():
                idx_copy(w + 2, idx0, sem_i0).start()

                @pl.when(cid == 0)
                def _():
                    val_copy(w + 2, val0, sem_v0).start()

            idx_copy(w + 1, idx1, sem_i1).wait()

            @pl.when(cid == 0)
            def _():
                val_copy(w + 1, val1, sem_v1).wait()
                pltpu.sync_copy(val1, acc_sh.at[idx1], add=True)

            @pl.when(cid == 1)
            def _():
                pltpu.sync_copy(val0, acc_sh.at[idx1], add=True)

            @pl.when(w + 3 < _N_WIN)
            def _():
                idx_copy(w + 3, idx1, sem_i1).start()

                @pl.when(cid == 0)
                def _():
                    val_copy(w + 3, val1, sem_v1).start()

        plsc.subcore_barrier()

        acc_slc = pl.ds(acc_base, _ACC_SLICE)

        @pl.when(cid == 0)
        def _():
            pltpu.sync_copy(acc_sh.at[acc_slc], sums_hbm.at[acc_slc])

        @pl.when(cid == 1)
        def _():
            pltpu.sync_copy(acc_sh.at[acc_slc], counts_hbm.at[acc_slc])

    return scatter_kernel(node_strengths, node_indices)


def _combine_body(s_ref, sum_ref, cnt_ref, o_ref):
    o_ref[...] = s_ref[...] + sum_ref[...] / jnp.maximum(cnt_ref[...], 1.0)


def _combine(strengths, sums, counts):
    blk = 131072
    return pl.pallas_call(
        _combine_body,
        out_shape=jax.ShapeDtypeStruct((_N_NODES,), jnp.float32),
        grid=(8,),
        in_specs=[pl.BlockSpec((blk,), lambda i: (i,))] * 3,
        out_specs=pl.BlockSpec((blk,), lambda i: (i,)),
    )(strengths, sums, counts)


def kernel(node_strengths, node_indices, strengths):
    sums, counts = _sc_scatter(node_strengths, node_indices)
    return _combine(strengths, sums, counts)

# --- scband reference (transcript-rebuilt; emitter-appended) ---
"""Pipeline reference for scband-dynamic-graph-1683627180756 (READ-ONLY COPY).

The authoritative reference and input builder live on the scoring server;
editing this copy changes nothing except your own understanding.
"""

import jax, jax.numpy as jnp
import numpy as np

NODE_NUM = 1000000
N_UPDATES = 4194304


def setup_inputs(seed: int = 0) -> dict:
    key = jax.random.key(seed)
    k1, k2 = jax.random.split(key)
    # int32 used for portability on CPU jax without x64; values in [0, NODE_NUM)
    node_indices = jax.random.randint(k1, (N_UPDATES,), 0, NODE_NUM, dtype=jnp.int32)
    node_strengths = jax.random.normal(k2, (N_UPDATES,), dtype=jnp.float32)
    # module state buffer: self.node.strengths = ones(node_num) * node_strengths_init (1.0)
    strengths = jnp.ones((NODE_NUM,), dtype=jnp.float32)
    return {"node_strengths": node_strengths, "node_indices": node_indices, "strengths": strengths}


def reference(node_strengths, node_indices, strengths):
    # DynamicGraph.update_node_strengths(node_indices, node_strengths, operation='add')
    # scatter_mean(src, index) over NODE_NUM segments, then elementwise add to strengths.
    sums = jax.ops.segment_sum(node_strengths, node_indices, num_segments=NODE_NUM)
    counts = jax.ops.segment_sum(jnp.ones_like(node_strengths), node_indices, num_segments=NODE_NUM)
    reduced = sums / jnp.maximum(counts, 1.0)  # scatter_mean clamps count at 1
    new_strengths = strengths + reduced  # operation == 'add'
    return new_strengths

if __name__ == "__main__":
    import jax
    _d = setup_inputs()
    print(jax.jit(kernel)(*tuple(_d.values())))

</pallas_src>

<mosaic_0001>
#map = affine_map<(d0, d1) -> (0)>
module attributes {stable_mosaic.version = 14 : i64} {
  func.func @scatter_kernel(%arg0: i32, %arg1: i32, %arg2: memref<4194304xf32, #tpu.memory_space<hbm>>, %arg3: memref<4194304xi32, #tpu.memory_space<hbm>>, %arg4: memref<1048576xf32, #tpu.memory_space<hbm>>, %arg5: memref<1048576xf32, #tpu.memory_space<hbm>>, %arg6: memref<1048576xf32, #tpu.memory_space<vmem_shared>>, %arg7: memref<4096xi32, #tpu.memory_space<vmem>>, %arg8: memref<4096xi32, #tpu.memory_space<vmem>>, %arg9: memref<4096xf32, #tpu.memory_space<vmem>>, %arg10: memref<4096xf32, #tpu.memory_space<vmem>>, %arg11: memref<!tpu.dma_semaphore, #tpu.memory_space<semaphore_mem>>, %arg12: memref<!tpu.dma_semaphore, #tpu.memory_space<semaphore_mem>>, %arg13: memref<!tpu.dma_semaphore, #tpu.memory_space<semaphore_mem>>, %arg14: memref<!tpu.dma_semaphore, #tpu.memory_space<semaphore_mem>>, %arg15: memref<!tpu.dma_semaphore, #tpu.memory_space<semaphore_mem>>, %arg16: memref<!tpu.dma_semaphore, #tpu.memory_space<semaphore_mem>>) attributes {dimension_semantics = [#tpu.dimension_semantics<core_parallel>, #tpu.dimension_semantics<subcore_parallel>], iteration_bounds = array<i64: 2, 16>, scalar_prefetch = 0 : i64, scratch_operands = 11 : i64, tpu.core_type = #tpu.core_type<sc_vector_subcore>, window_params = [{transform_indices = #map}, {transform_indices = #map}, {transform_indices = #map}, {transform_indices = #map}]} {
    %mul3A = arith.constant 262144 : i32
    %mul3A_0 = arith.muli %arg1, %mul3A : i32
    %mul3A_1 = arith.constant 65536 : i32
    %mul3A_2 = arith.muli %arg1, %mul3A_1 : i32
    %add3A = arith.constant 0 : i32
    %add3A_3 = arith.addi %mul3A_0, %add3A : i32
    %dma_start3A = tpu.memref_slice %arg3[%add3A_3] : memref<4194304xi32, #tpu.memory_space<hbm>> -> memref<4096xi32, #tpu.memory_space<hbm>>
    %dma_start3A_4 = tpu.memref_slice %arg3[%add3A_3] : memref<4194304xi32, #tpu.memory_space<hbm>> -> memref<4096xi32, #tpu.memory_space<hbm>>
    tpu.enqueue_dma source(%dma_start3A_4 : memref<4096xi32, #tpu.memory_space<hbm>>) target(%arg7 : memref<4096xi32, #tpu.memory_space<vmem>>) target_semaphore(%arg11 : memref<!tpu.dma_semaphore, #tpu.memory_space<semaphore_mem>>)
    %add3A_5 = arith.constant 4096 : i32
    %add3A_6 = arith.addi %mul3A_0, %add3A_5 : i32
    %dma_start3A_7 = tpu.memref_slice %arg3[%add3A_6] : memref<4194304xi32, #tpu.memory_space<hbm>> -> memref<4096xi32, #tpu.memory_space<hbm>>
    %dma_start3A_8 = tpu.memref_slice %arg3[%add3A_6] : memref<4194304xi32, #tpu.memory_space<hbm>> -> memref<4096xi32, #tpu.memory_space<hbm>>
    tpu.enqueue_dma source(%dma_start3A_8 : memref<4096xi32, #tpu.memory_space<hbm>>) target(%arg8 : memref<4096xi32, #tpu.memory_space<vmem>>) target_semaphore(%arg12 : memref<!tpu.dma_semaphore, #tpu.memory_space<semaphore_mem>>)
    %scan3A = arith.constant 0 : i32
    %scan3A_9 = arith.constant 256 : i32
    %scan3A_10 = arith.addi %scan3A, %scan3A_9 : i32
    %scan3A_11 = arith.constant 1 : i32
    scf.for %scan3A_41 = %scan3A to %scan3A_10 step %scan3A_11  : i32 {
      %mul3A_42 = arith.constant 16 : i32
      %mul3A_43 = arith.muli %scan3A_41, %mul3A_42 : i32
      %add3A_44 = arith.constant 0 : i32
      %add3A_45 = arith.addi %add3A_44, %mul3A_43 : i32
      %broadcast_in_dim3A = arith.constant 0.000000e+00 : f32
      %broadcast_in_dim3A_46 = vector.broadcast %broadcast_in_dim3A : f32 to vector<16xf32>
      %swap3A = arith.index_cast %add3A_45 : i32 to index
      %swap3A_47 = tpu.vector_load %arg9[%swap3A] {strides = array<i32>} : memref<4096xf32, #tpu.memory_space<vmem>>, vector<16xf32>,
      %swap3A_48 = vector.shape_cast %swap3A_47 : vector<16xf32> to vector<16xf32>
      %swap3A_49 = vector.shape_cast %broadcast_in_dim3A_46 : vector<16xf32> to vector<16xf32>
      tpu.vector_store %arg9[%swap3A], %swap3A_49 {strides = array<i32>} : memref<4096xf32, #tpu.memory_space<vmem>>, vector<16xf32>,
    }
    %scan3A_12 = arith.constant 256 : i32
    %scan3A_13 = arith.constant 0 : i32
    %scan3A_14 = arith.constant 16 : i32
    %scan3A_15 = arith.addi %scan3A_13, %scan3A_14 : i32
    %scan3A_16 = arith.constant 1 : i32
    scf.for %scan3A_41 = %scan3A_13 to %scan3A_15 step %scan3A_16  : i32 {
      %mul3A_42 = arith.constant 4096 : i32
      %mul3A_43 = arith.muli %scan3A_41, %mul3A_42 : i32
      %add3A_44 = arith.constant 0 : i32
      %add3A_45 = arith.addi %add3A_44, %mul3A_43 : i32
      %add3A_46 = arith.addi %mul3A_2, %add3A_45 : i32
      "tpu.region"() ({
        %run_scoped3A = tpu.sem_alloc : memref<!tpu.dma_semaphore, #tpu.memory_space<semaphore_mem>>
        %dma_start3A_47 = tpu.memref_slice %arg6[%add3A_46] : memref<1048576xf32, #tpu.memory_space<vmem_shared>> -> memref<4096xf32, #tpu.memory_space<vmem_shared>>
        %dma_start3A_48 = tpu.memref_slice %arg6[%add3A_46] : memref<1048576xf32, #tpu.memory_space<vmem_shared>> -> memref<4096xf32, #tpu.memory_space<vmem_shared>>
        tpu.enqueue_dma source(%arg9 : memref<4096xf32, #tpu.memory_space<vmem>>) target(%dma_start3A_48 : memref<4096xf32, #tpu.memory_space<vmem_shared>>) target_semaphore(%run_scoped3A : memref<!tpu.dma_semaphore, #tpu.memory_space<semaphore_mem>>)
        %dma_wait3A = tpu.memref_slice %arg6[%add3A_46] : memref<1048576xf32, #tpu.memory_space<vmem_shared>> -> memref<4096xf32, #tpu.memory_space<vmem_shared>>
        %dma_wait3A_49 = tpu.memref_slice %arg6[%add3A_46] : memref<1048576xf32, #tpu.memory_space<vmem_shared>> -> memref<4096xf32, #tpu.memory_space<vmem_shared>>
        tpu.wait_dma2 semaphore(%run_scoped3A : memref<!tpu.dma_semaphore, #tpu.memory_space<semaphore_mem>>) src(%arg9 : memref<4096xf32, #tpu.memory_space<vmem>>) dst(%dma_wait3A_49 : memref<4096xf32, #tpu.memory_space<vmem_shared>>)
        tpu.yield
      }) : () -> ()
    }
    %scan3A_17 = arith.constant 16 : i32
    %eq3A = arith.constant 0 : i32
    %eq3A_18 = arith.cmpi eq, %arg0, %eq3A : i32
    %convert_element_type3A = arith.extui %eq3A_18 : i1 to i32
    %cond3A = arith.constant 0 : i32
    %cond3A_19 = arith.cmpi ne, %convert_element_type3A, %cond3A : i32
    scf.if %cond3A_19 {
      %add3A_41 = arith.constant 0 : i32
      %add3A_42 = arith.addi %mul3A_0, %add3A_41 : i32
      %dma_start3A_43 = tpu.memref_slice %arg2[%add3A_42] : memref<4194304xf32, #tpu.memory_space<hbm>> -> memref<4096xf32, #tpu.memory_space<hbm>>
      %dma_start3A_44 = tpu.memref_slice %arg2[%add3A_42] : memref<4194304xf32, #tpu.memory_space<hbm>> -> memref<4096xf32, #tpu.memory_space<hbm>>
      tpu.enqueue_dma source(%dma_start3A_44 : memref<4096xf32, #tpu.memory_space<hbm>>) target(%arg9 : memref<4096xf32, #tpu.memory_space<vmem>>) target_semaphore(%arg13 : memref<!tpu.dma_semaphore, #tpu.memory_space<semaphore_mem>>)
      %add3A_45 = arith.constant 4096 : i32
      %add3A_46 = arith.addi %mul3A_0, %add3A_45 : i32
      %dma_start3A_47 = tpu.memref_slice %arg2[%add3A_46] : memref<4194304xf32, #tpu.memory_space<hbm>> -> memref<4096xf32, #tpu.memory_space<hbm>>
      %dma_start3A_48 = tpu.memref_slice %arg2[%add3A_46] : memref<4194304xf32, #tpu.memory_space<hbm>> -> memref<4096xf32, #tpu.memory_space<hbm>>
      tpu.enqueue_dma source(%dma_start3A_48 : memref<4096xf32, #tpu.memory_space<hbm>>) target(%arg10 : memref<4096xf32, #tpu.memory_space<vmem>>) target_semaphore(%arg14 : memref<!tpu.dma_semaphore, #tpu.memory_space<semaphore_mem>>)
    } else {
    }
    %eq3A_20 = arith.constant 1 : i32
    %eq3A_21 = arith.cmpi eq, %arg0, %eq3A_20 : i32
    %convert_element_type3A_22 = arith.extui %eq3A_21 : i1 to i32
    %cond3A_23 = arith.constant 0 : i32
    %cond3A_24 = arith.cmpi ne, %convert_element_type3A_22, %cond3A_23 : i32
    scf.if %cond3A_24 {
      %scan3A_41 = arith.constant 0 : i32
      %scan3A_42 = arith.constant 256 : i32
      %scan3A_43 = arith.addi %scan3A_41, %scan3A_42 : i32
      %scan3A_44 = arith.constant 1 : i32
      scf.for %scan3A_46 = %scan3A_41 to %scan3A_43 step %scan3A_44  : i32 {
        %mul3A_47 = arith.constant 16 : i32
        %mul3A_48 = arith.muli %scan3A_46, %mul3A_47 : i32
        %add3A_49 = arith.constant 0 : i32
        %add3A_50 = arith.addi %add3A_49, %mul3A_48 : i32
        %broadcast_in_dim3A = arith.constant 1.000000e+00 : f32
        %broadcast_in_dim3A_51 = vector.broadcast %broadcast_in_dim3A : f32 to vector<16xf32>
        %swap3A = arith.index_cast %add3A_50 : i32 to index
        %swap3A_52 = tpu.vector_load %arg9[%swap3A] {strides = array<i32>} : memref<4096xf32, #tpu.memory_space<vmem>>, vector<16xf32>,
        %swap3A_53 = vector.shape_cast %swap3A_52 : vector<16xf32> to vector<16xf32>
        %swap3A_54 = vector.shape_cast %broadcast_in_dim3A_51 : vector<16xf32> to vector<16xf32>
        tpu.vector_store %arg9[%swap3A], %swap3A_54 {strides = array<i32>} : memref<4096xf32, #tpu.memory_space<vmem>>, vector<16xf32>,
      }
      %scan3A_45 = arith.constant 256 : i32
    } else {
    }
    %barrier3A = arith.constant 0 : index
    tpu.barrier barrier_id(%barrier3A)
    %scan3A_25 = arith.constant 0 : i32
    %scan3A_26 = arith.constant 32 : i32
    %scan3A_27 = arith.addi %scan3A_25, %scan3A_26 : i32
    %scan3A_28 = arith.constant 1 : i32
    scf.for %scan3A_41 = %scan3A_25 to %scan3A_27 step %scan3A_28  : i32 {
      %mul3A_42 = arith.constant 2 : i32
      %mul3A_43 = arith.muli %scan3A_41, %mul3A_42 : i32
      %add3A_44 = arith.constant 0 : i32
      %add3A_45 = arith.addi %add3A_44, %mul3A_43 : i32
      %mul3A_46 = arith.constant 4096 : i32
      %mul3A_47 = arith.muli %add3A_45, %mul3A_46 : i32
      %add3A_48 = arith.addi %mul3A_0, %mul3A_47 : i32
      %dma_wait3A = tpu.memref_slice %arg3[%add3A_48] : memref<4194304xi32, #tpu.memory_space<hbm>> -> memref<4096xi32, #tpu.memory_space<hbm>>
      %dma_wait3A_49 = tpu.memref_slice %arg3[%add3A_48] : memref<4194304xi32, #tpu.memory_space<hbm>> -> memref<4096xi32, #tpu.memory_space<hbm>>
      tpu.wait_dma2 semaphore(%arg11 : memref<!tpu.dma_semaphore, #tpu.memory_space<semaphore_mem>>) src(%dma_wait3A_49 : memref<4096xi32, #tpu.memory_space<hbm>>) dst(%arg7 : memref<4096xi32, #tpu.memory_space<vmem>>)
      %eq3A_50 = arith.constant 0 : i32
      %eq3A_51 = arith.cmpi eq, %arg0, %eq3A_50 : i32
      %convert_element_type3A_52 = arith.extui %eq3A_51 : i1 to i32
      %cond3A_53 = arith.constant 0 : i32
      %cond3A_54 = arith.cmpi ne, %convert_element_type3A_52, %cond3A_53 : i32
      scf.if %cond3A_54 {
        %mul3A_90 = arith.constant 4096 : i32
        %mul3A_91 = arith.muli %add3A_45, %mul3A_90 : i32
        %add3A_92 = arith.addi %mul3A_0, %mul3A_91 : i32
        %dma_wait3A_93 = tpu.memref_slice %arg2[%add3A_92] : memref<4194304xf32, #tpu.memory_space<hbm>> -> memref<4096xf32, #tpu.memory_space<hbm>>
        %dma_wait3A_94 = tpu.memref_slice %arg2[%add3A_92] : memref<4194304xf32, #tpu.memory_space<hbm>> -> memref<4096xf32, #tpu.memory_space<hbm>>
        tpu.wait_dma2 semaphore(%arg13 : memref<!tpu.dma_semaphore, #tpu.memory_space<semaphore_mem>>) src(%dma_wait3A_94 : memref<4096xf32, #tpu.memory_space<hbm>>) dst(%arg9 : memref<4096xf32, #tpu.memory_space<vmem>>)
        "tpu.region"() ({
          %run_scoped3A = tpu.sem_alloc : memref<!tpu.dma_semaphore, #tpu.memory_space<semaphore_mem>>
          %dma_start3A_95 = arith.constant 0 : i32
          %dma_start3A_96 = tpu.memref_slice %arg6[%dma_start3A_95] : memref<1048576xf32, #tpu.memory_space<vmem_shared>> -> memref<1048576xf32, #tpu.memory_space<vmem_shared>>
          tpu.enqueue_indirect_dma source(%arg9 : memref<4096xf32, #tpu.memory_space<vmem>>) target(%dma_start3A_96 : memref<1048576xf32, #tpu.memory_space<vmem_shared>>) offsets(%arg7 : memref<4096xi32, #tpu.memory_space<vmem>>) semaphore(%run_scoped3A : memref<!tpu.dma_semaphore, #tpu.memory_space<semaphore_mem>>) {add = true}
          %dma_wait3A_97 = arith.constant 0 : i32
          %dma_wait3A_98 = tpu.memref_slice %arg6[%dma_wait3A_97] : memref<1048576xf32, #tpu.memory_space<vmem_shared>> -> memref<1048576xf32, #tpu.memory_space<vmem_shared>>
          tpu.wait_indirect_dma semaphore(%run_scoped3A : memref<!tpu.dma_semaphore, #tpu.memory_space<semaphore_mem>>) src(%arg9 : memref<4096xf32, #tpu.memory_space<vmem>>) dst(%dma_wait3A_98 : memref<1048576xf32, #tpu.memory_space<vmem_shared>>)
          tpu.yield
        }) : () -> ()
      } else {
      }
      %eq3A_55 = arith.constant 1 : i32
      %eq3A_56 = arith.cmpi eq, %arg0, %eq3A_55 : i32
      %convert_element_type3A_57 = arith.extui %eq3A_56 : i1 to i32
      %cond3A_58 = arith.constant 0 : i32
      %cond3A_59 = arith.cmpi ne, %convert_element_type3A_57, %cond3A_58 : i32
      scf.if %cond3A_59 {
        "tpu.region"() ({
          %run_scoped3A = tpu.sem_alloc : memref<!tpu.dma_semaphore, #tpu.memory_space<semaphore_mem>>
          %dma_start3A_90 = arith.constant 0 : i32
          %dma_start3A_91 = tpu.memref_slice %arg6[%dma_start3A_90] : memref<1048576xf32, #tpu.memory_space<vmem_shared>> -> memref<1048576xf32, #tpu.memory_space<vmem_shared>>
          tpu.enqueue_indirect_dma source(%arg9 : memref<4096xf32, #tpu.memory_space<vmem>>) target(%dma_start3A_91 : memref<1048576xf32, #tpu.memory_space<vmem_shared>>) offsets(%arg7 : memref<4096xi32, #tpu.memory_space<vmem>>) semaphore(%run_scoped3A : memref<!tpu.dma_semaphore, #tpu.memory_space<semaphore_mem>>) {add = true}
          %dma_wait3A_92 = arith.constant 0 : i32
          %dma_wait3A_93 = tpu.memref_slice %arg6[%dma_wait3A_92] : memref<1048576xf32, #tpu.memory_space<vmem_shared>> -> memref<1048576xf32, #tpu.memory_space<vmem_shared>>
          tpu.wait_indirect_dma semaphore(%run_scoped3A : memref<!tpu.dma_semaphore, #tpu.memory_space<semaphore_mem>>) src(%arg9 : memref<4096xf32, #tpu.memory_space<vmem>>) dst(%dma_wait3A_93 : memref<1048576xf32, #tpu.memory_space<vmem_shared>>)
          tpu.yield
        }) : () -> ()
      } else {
      }
      %add3A_60 = arith.constant 2 : i32
      %add3A_61 = arith.addi %add3A_45, %add3A_60 : i32
      %lt3A = arith.constant 64 : i32
      %lt3A_62 = arith.cmpi slt, %add3A_61, %lt3A : i32
      %convert_element_type3A_63 = arith.extui %lt3A_62 : i1 to i32
      %cond3A_64 = arith.constant 0 : i32
      %cond3A_65 = arith.cmpi ne, %convert_element_type3A_63, %cond3A_64 : i32
      scf.if %cond3A_65 {
        %add3A_90 = arith.constant 2 : i32
        %add3A_91 = arith.addi %add3A_45, %add3A_90 : i32
        %mul3A_92 = arith.constant 4096 : i32
        %mul3A_93 = arith.muli %add3A_91, %mul3A_92 : i32
        %add3A_94 = arith.addi %mul3A_0, %mul3A_93 : i32
        %dma_start3A_95 = tpu.memref_slice %arg3[%add3A_94] : memref<4194304xi32, #tpu.memory_space<hbm>> -> memref<4096xi32, #tpu.memory_space<hbm>>
        %dma_start3A_96 = tpu.memref_slice %arg3[%add3A_94] : memref<4194304xi32, #tpu.memory_space<hbm>> -> memref<4096xi32, #tpu.memory_space<hbm>>
        tpu.enqueue_dma source(%dma_start3A_96 : memref<4096xi32, #tpu.memory_space<hbm>>) target(%arg7 : memref<4096xi32, #tpu.memory_space<vmem>>) target_semaphore(%arg11 : memref<!tpu.dma_semaphore, #tpu.memory_space<semaphore_mem>>)
        %eq3A_97 = arith.constant 0 : i32
        %eq3A_98 = arith.cmpi eq, %arg0, %eq3A_97 : i32
        %convert_element_type3A_99 = arith.extui %eq3A_98 : i1 to i32
        %cond3A_100 = arith.constant 0 : i32
        %cond3A_101 = arith.cmpi ne, %convert_element_type3A_99, %cond3A_100 : i32
        scf.if %cond3A_101 {
          %add3A_102 = arith.constant 2 : i32
          %add3A_103 = arith.addi %add3A_45, %add3A_102 : i32
          %mul3A_104 = arith.constant 4096 : i32
          %mul3A_105 = arith.muli %add3A_103, %mul3A_104 : i32
          %add3A_106 = arith.addi %mul3A_0, %mul3A_105 : i32
          %dma_start3A_107 = tpu.memref_slice %arg2[%add3A_106] : memref<4194304xf32, #tpu.memory_space<hbm>> -> memref<4096xf32, #tpu.memory_space<hbm>>
          %dma_start3A_108 = tpu.memref_slice %arg2[%add3A_106] : memref<4194304xf32, #tpu.memory_space<hbm>> -> memref<4096xf32, #tpu.memory_space<hbm>>
          tpu.enqueue_dma source(%dma_start3A_108 : memref<4096xf32, #tpu.memory_space<hbm>>) target(%arg9 : memref<4096xf32, #tpu.memory_space<vmem>>) target_semaphore(%arg13 : memref<!tpu.dma_semaphore, #tpu.memory_space<semaphore_mem>>)
        } else {
        }
      } else {
      }
      %add3A_66 = arith.constant 1 : i32
      %add3A_67 = arith.addi %add3A_45, %add3A_66 : i32
      %mul3A_68 = arith.constant 4096 : i32
      %mul3A_69 = arith.muli %add3A_67, %mul3A_68 : i32
      %add3A_70 = arith.addi %mul3A_0, %mul3A_69 : i32
      %dma_wait3A_71 = tpu.memref_slice %arg3[%add3A_70] : memref<4194304xi32, #tpu.memory_space<hbm>> -> memref<4096xi32, #tpu.memory_space<hbm>>
      %dma_wait3A_72 = tpu.memref_slice %arg3[%add3A_70] : memref<4194304xi32, #tpu.memory_space<hbm>> -> memref<4096xi32, #tpu.memory_space<hbm>>
      tpu.wait_dma2 semaphore(%arg12 : memref<!tpu.dma_semaphore, #tpu.memory_space<semaphore_mem>>) src(%dma_wait3A_72 : memref<4096xi32, #tpu.memory_space<hbm>>) dst(%arg8 : memref<4096xi32, #tpu.memory_space<vmem>>)
      %eq3A_73 = arith.constant 0 : i32
      %eq3A_74 = arith.cmpi eq, %arg0, %eq3A_73 : i32
      %convert_element_type3A_75 = arith.extui %eq3A_74 : i1 to i32
      %cond3A_76 = arith.constant 0 : i32
      %cond3A_77 = arith.cmpi ne, %convert_element_type3A_75, %cond3A_76 : i32
      scf.if %cond3A_77 {
        %add3A_90 = arith.constant 1 : i32
        %add3A_91 = arith.addi %add3A_45, %add3A_90 : i32
        %mul3A_92 = arith.constant 4096 : i32
        %mul3A_93 = arith.muli %add3A_91, %mul3A_92 : i32
        %add3A_94 = arith.addi %mul3A_0, %mul3A_93 : i32
        %dma_wait3A_95 = tpu.memref_slice %arg2[%add3A_94] : memref<4194304xf32, #tpu.memory_space<hbm>> -> memref<4096xf32, #tpu.memory_space<hbm>>
        %dma_wait3A_96 = tpu.memref_slice %arg2[%add3A_94] : memref<4194304xf32, #tpu.memory_space<hbm>> -> memref<4096xf32, #tpu.memory_space<hbm>>
        tpu.wait_dma2 semaphore(%arg14 : memref<!tpu.dma_semaphore, #tpu.memory_space<semaphore_mem>>) src(%dma_wait3A_96 : memref<4096xf32, #tpu.memory_space<hbm>>) dst(%arg10 : memref<4096xf32, #tpu.memory_space<vmem>>)
        "tpu.region"() ({
          %run_scoped3A = tpu.sem_alloc : memref<!tpu.dma_semaphore, #tpu.memory_space<semaphore_mem>>
          %dma_start3A_97 = arith.constant 0 : i32
          %dma_start3A_98 = tpu.memref_slice %arg6[%dma_start3A_97] : memref<1048576xf32, #tpu.memory_space<vmem_shared>> -> memref<1048576xf32, #tpu.memory_space<vmem_shared>>
          tpu.enqueue_indirect_dma source(%arg10 : memref<4096xf32, #tpu.memory_space<vmem>>) target(%dma_start3A_98 : memref<1048576xf32, #tpu.memory_space<vmem_shared>>) offsets(%arg8 : memref<4096xi32, #tpu.memory_space<vmem>>) semaphore(%run_scoped3A : memref<!tpu.dma_semaphore, #tpu.memory_space<semaphore_mem>>) {add = true}
          %dma_wait3A_99 = arith.constant 0 : i32
          %dma_wait3A_100 = tpu.memref_slice %arg6[%dma_wait3A_99] : memref<1048576xf32, #tpu.memory_space<vmem_shared>> -> memref<1048576xf32, #tpu.memory_space<vmem_shared>>
          tpu.wait_indirect_dma semaphore(%run_scoped3A : memref<!tpu.dma_semaphore, #tpu.memory_space<semaphore_mem>>) src(%arg10 : memref<4096xf32, #tpu.memory_space<vmem>>) dst(%dma_wait3A_100 : memref<1048576xf32, #tpu.memory_space<vmem_shared>>)
          tpu.yield
        }) : () -> ()
      } else {
      }
      %eq3A_78 = arith.constant 1 : i32
      %eq3A_79 = arith.cmpi eq, %arg0, %eq3A_78 : i32
      %convert_element_type3A_80 = arith.extui %eq3A_79 : i1 to i32
      %cond3A_81 = arith.constant 0 : i32
      %cond3A_82 = arith.cmpi ne, %convert_element_type3A_80, %cond3A_81 : i32
      scf.if %cond3A_82 {
        "tpu.region"() ({
          %run_scoped3A = tpu.sem_alloc : memref<!tpu.dma_semaphore, #tpu.memory_space<semaphore_mem>>
          %dma_start3A_90 = arith.constant 0 : i32
          %dma_start3A_91 = tpu.memref_slice %arg6[%dma_start3A_90] : memref<1048576xf32, #tpu.memory_space<vmem_shared>> -> memref<1048576xf32, #tpu.memory_space<vmem_shared>>
          tpu.enqueue_indirect_dma source(%arg9 : memref<4096xf32, #tpu.memory_space<vmem>>) target(%dma_start3A_91 : memref<1048576xf32, #tpu.memory_space<vmem_shared>>) offsets(%arg8 : memref<4096xi32, #tpu.memory_space<vmem>>) semaphore(%run_scoped3A : memref<!tpu.dma_semaphore, #tpu.memory_space<semaphore_mem>>) {add = true}
          %dma_wait3A_92 = arith.constant 0 : i32
          %dma_wait3A_93 = tpu.memref_slice %arg6[%dma_wait3A_92] : memref<1048576xf32, #tpu.memory_space<vmem_shared>> -> memref<1048576xf32, #tpu.memory_space<vmem_shared>>
          tpu.wait_indirect_dma semaphore(%run_scoped3A : memref<!tpu.dma_semaphore, #tpu.memory_space<semaphore_mem>>) src(%arg9 : memref<4096xf32, #tpu.memory_space<vmem>>) dst(%dma_wait3A_93 : memref<1048576xf32, #tpu.memory_space<vmem_shared>>)
          tpu.yield
        }) : () -> ()
      } else {
      }
      %add3A_83 = arith.constant 3 : i32
      %add3A_84 = arith.addi %add3A_45, %add3A_83 : i32
      %lt3A_85 = arith.constant 64 : i32
      %lt3A_86 = arith.cmpi slt, %add3A_84, %lt3A_85 : i32
      %convert_element_type3A_87 = arith.extui %lt3A_86 : i1 to i32
      %cond3A_88 = arith.constant 0 : i32
      %cond3A_89 = arith.cmpi ne, %convert_element_type3A_87, %cond3A_88 : i32
      scf.if %cond3A_89 {
        %add3A_90 = arith.constant 3 : i32
        %add3A_91 = arith.addi %add3A_45, %add3A_90 : i32
        %mul3A_92 = arith.constant 4096 : i32
        %mul3A_93 = arith.muli %add3A_91, %mul3A_92 : i32
        %add3A_94 = arith.addi %mul3A_0, %mul3A_93 : i32
        %dma_start3A_95 = tpu.memref_slice %arg3[%add3A_94] : memref<4194304xi32, #tpu.memory_space<hbm>> -> memref<4096xi32, #tpu.memory_space<hbm>>
        %dma_start3A_96 = tpu.memref_slice %arg3[%add3A_94] : memref<4194304xi32, #tpu.memory_space<hbm>> -> memref<4096xi32, #tpu.memory_space<hbm>>
        tpu.enqueue_dma source(%dma_start3A_96 : memref<4096xi32, #tpu.memory_space<hbm>>) target(%arg8 : memref<4096xi32, #tpu.memory_space<vmem>>) target_semaphore(%arg12 : memref<!tpu.dma_semaphore, #tpu.memory_space<semaphore_mem>>)
        %eq3A_97 = arith.constant 0 : i32
        %eq3A_98 = arith.cmpi eq, %arg0, %eq3A_97 : i32
        %convert_element_type3A_99 = arith.extui %eq3A_98 : i1 to i32
        %cond3A_100 = arith.constant 0 : i32
        %cond3A_101 = arith.cmpi ne, %convert_element_type3A_99, %cond3A_100 : i32
        scf.if %cond3A_101 {
          %add3A_102 = arith.constant 3 : i32
          %add3A_103 = arith.addi %add3A_45, %add3A_102 : i32
          %mul3A_104 = arith.constant 4096 : i32
          %mul3A_105 = arith.muli %add3A_103, %mul3A_104 : i32
          %add3A_106 = arith.addi %mul3A_0, %mul3A_105 : i32
          %dma_start3A_107 = tpu.memref_slice %arg2[%add3A_106] : memref<4194304xf32, #tpu.memory_space<hbm>> -> memref<4096xf32, #tpu.memory_space<hbm>>
          %dma_start3A_108 = tpu.memref_slice %arg2[%add3A_106] : memref<4194304xf32, #tpu.memory_space<hbm>> -> memref<4096xf32, #tpu.memory_space<hbm>>
          tpu.enqueue_dma source(%dma_start3A_108 : memref<4096xf32, #tpu.memory_space<hbm>>) target(%arg10 : memref<4096xf32, #tpu.memory_space<vmem>>) target_semaphore(%arg14 : memref<!tpu.dma_semaphore, #tpu.memory_space<semaphore_mem>>)
        } else {
        }
      } else {
      }
    }
    %scan3A_29 = arith.constant 32 : i32
    %barrier3A_30 = arith.constant 0 : index
    tpu.barrier barrier_id(%barrier3A_30)
    %eq3A_31 = arith.constant 0 : i32
    %eq3A_32 = arith.cmpi eq, %arg0, %eq3A_31 : i32
    %convert_element_type3A_33 = arith.extui %eq3A_32 : i1 to i32
    %cond3A_34 = arith.constant 0 : i32
    %cond3A_35 = arith.cmpi ne, %convert_element_type3A_33, %cond3A_34 : i32
    scf.if %cond3A_35 {
      "tpu.region"() ({
        %run_scoped3A = tpu.sem_alloc : memref<!tpu.dma_semaphore, #tpu.memory_space<semaphore_mem>>
        %dma_start3A_41 = tpu.memref_slice %arg4[%mul3A_2] : memref<1048576xf32, #tpu.memory_space<hbm>> -> memref<65536xf32, #tpu.memory_space<hbm>>
        %dma_start3A_42 = tpu.memref_slice %arg6[%mul3A_2] : memref<1048576xf32, #tpu.memory_space<vmem_shared>> -> memref<65536xf32, #tpu.memory_space<vmem_shared>>
        tpu.enqueue_dma source(%dma_start3A_42 : memref<65536xf32, #tpu.memory_space<vmem_shared>>) target(%dma_start3A_41 : memref<65536xf32, #tpu.memory_space<hbm>>) target_semaphore(%run_scoped3A : memref<!tpu.dma_semaphore, #tpu.memory_space<semaphore_mem>>)
        %dma_wait3A = tpu.memref_slice %arg4[%mul3A_2] : memref<1048576xf32, #tpu.memory_space<hbm>> -> memref<65536xf32, #tpu.memory_space<hbm>>
        %dma_wait3A_43 = tpu.memref_slice %arg6[%mul3A_2] : memref<1048576xf32, #tpu.memory_space<vmem_shared>> -> memref<65536xf32, #tpu.memory_space<vmem_shared>>
        tpu.wait_dma2 semaphore(%run_scoped3A : memref<!tpu.dma_semaphore, #tpu.memory_space<semaphore_mem>>) src(%dma_wait3A_43 : memref<65536xf32, #tpu.memory_space<vmem_shared>>) dst(%dma_wait3A : memref<65536xf32, #tpu.memory_space<hbm>>)
        tpu.yield
      }) : () -> ()
    } else {
    }
    %eq3A_36 = arith.constant 1 : i32
    %eq3A_37 = arith.cmpi eq, %arg0, %eq3A_36 : i32
    %convert_element_type3A_38 = arith.extui %eq3A_37 : i1 to i32
    %cond3A_39 = arith.constant 0 : i32
    %cond3A_40 = arith.cmpi ne, %convert_element_type3A_38, %cond3A_39 : i32
    scf.if %cond3A_40 {
      "tpu.region"() ({
        %run_scoped3A = tpu.sem_alloc : memref<!tpu.dma_semaphore, #tpu.memory_space<semaphore_mem>>
        %dma_start3A_41 = tpu.memref_slice %arg5[%mul3A_2] : memref<1048576xf32, #tpu.memory_space<hbm>> -> memref<65536xf32, #tpu.memory_space<hbm>>
        %dma_start3A_42 = tpu.memref_slice %arg6[%mul3A_2] : memref<1048576xf32, #tpu.memory_space<vmem_shared>> -> memref<65536xf32, #tpu.memory_space<vmem_shared>>
        tpu.enqueue_dma source(%dma_start3A_42 : memref<65536xf32, #tpu.memory_space<vmem_shared>>) target(%dma_start3A_41 : memref<65536xf32, #tpu.memory_space<hbm>>) target_semaphore(%run_scoped3A : memref<!tpu.dma_semaphore, #tpu.memory_space<semaphore_mem>>)
        %dma_wait3A = tpu.memref_slice %arg5[%mul3A_2] : memref<1048576xf32, #tpu.memory_space<hbm>> -> memref<65536xf32, #tpu.memory_space<hbm>>
        %dma_wait3A_43 = tpu.memref_slice %arg6[%mul3A_2] : memref<1048576xf32, #tpu.memory_space<vmem_shared>> -> memref<65536xf32, #tpu.memory_space<vmem_shared>>
        tpu.wait_dma2 semaphore(%run_scoped3A : memref<!tpu.dma_semaphore, #tpu.memory_space<semaphore_mem>>) src(%dma_wait3A_43 : memref<65536xf32, #tpu.memory_space<vmem_shared>>) dst(%dma_wait3A : memref<65536xf32, #tpu.memory_space<hbm>>)
        tpu.yield
      }) : () -> ()
    } else {
    }
    return
  }
}

module attributes {stable_mosaic.version = 14 : i64} {
  func.func @_combine_body(%arg0: i32, %arg1: memref<131072xf32, #tpu.memory_space<vmem>>, %arg2: memref<131072xf32, #tpu.memory_space<vmem>>, %arg3: memref<131072xf32, #tpu.memory_space<vmem>>, %arg4: memref<131072xf32, #tpu.memory_space<vmem>>) attributes {dimension_semantics = [#tpu.dimension_semantics<arbitrary>], iteration_bounds = array<i64: 8>, scalar_prefetch = 0 : i64, scratch_operands = 0 : i64, tpu.core_type = #tpu.core_type<tc>, window_params = [{transform_indices = @transform_0, window_bounds = array<i64: 131072>}, {transform_indices = @transform_1, window_bounds = array<i64: 131072>}, {transform_indices = @transform_2, window_bounds = array<i64: 131072>}, {transform_indices = @transform_3, window_bounds = array<i64: 131072>}]} {
    %get3A = arith.constant 0 : index
    %get3A_0 = vector.load %arg1[%get3A] : memref<131072xf32, #tpu.memory_space<vmem>>, vector<131072xf32>
    %get3A_1 = arith.constant 0 : index
    %get3A_2 = vector.load %arg2[%get3A_1] : memref<131072xf32, #tpu.memory_space<vmem>>, vector<131072xf32>
    %get3A_3 = arith.constant 0 : index
    %get3A_4 = vector.load %arg3[%get3A_3] : memref<131072xf32, #tpu.memory_space<vmem>>, vector<131072xf32>
    %max3A = arith.constant 1.000000e+00 : f32
    %max3A_5 = vector.broadcast %max3A : f32 to vector<131072xf32>
    %max3A_6 = arith.maximumf %get3A_4, %max3A_5 : vector<131072xf32>
    %div3A = arith.divf %get3A_2, %max3A_6 : vector<131072xf32>
    %add3A = arith.addf %get3A_0, %div3A : vector<131072xf32>
    %swap3A = arith.constant 0 : index
    %swap3A_7 = vector.load %arg4[%swap3A] : memref<131072xf32, #tpu.memory_space<vmem>>, vector<131072xf32>
    tpu.vector_store %arg4[%swap3A], %add3A {strides = array<i32>} : memref<131072xf32, #tpu.memory_space<vmem>>, vector<131072xf32>,
    return
  }
  func.func @transform_0(%arg0: i32) -> i32 {
    %c0_i32 = arith.constant 0 : i32
    return %arg0 : i32
  }
  func.func @transform_1(%arg0: i32) -> i32 {
    %c0_i32 = arith.constant 0 : i32
    return %arg0 : i32
  }
  func.func @transform_2(%arg0: i32) -> i32 {
    %c0_i32 = arith.constant 0 : i32
    return %arg0 : i32
  }
  func.func @transform_3(%arg0: i32) -> i32 {
    %c0_i32 = arith.constant 0 : i32
    return %arg0 : i32
  }
}

</mosaic_0001>

<sc_bundles>
// kernel: kernel.4.cloned.1.call-start
scs
__scs_entry_jumppad:
0x0: {  	(pc) =	sbr.rel $0x88, $3  }
0x1: {  	(tag) =	ssettag $0x0;
	lr =	simm.s32 $0x1  }
0x2: {  	[smem:$0x3F9E] =	sst lr;
	_ =	strace $0xD0000000  }
0x3: {  	_ = 	snop  }
0x4: {  	_ = 	snop  }
0x5: {  	_ = 	snop  }
0x6: {  	_ = 	snop  }
0x7: {  	_ = 	snop  }
__scs_overlays_trampoline_lowered:
0x8: {  	[smem:$0x3FAD] =	sst s0  }
0x9: {  	[smem:$0x3FAE] =	sst s1  }
0xa: {  	[smem:$0x3FAF] =	sst s2  }
0xb: {  	[smem:$0x3FB0] =	sst s3  }
0xc: {  	[smem:$0x3FB1] =	sst s4  }
0xd: {  	[smem:$0x3FB2] =	sst s5  }
0xe: {  	[smem:$0x3FB3] =	sst s6  }
0xf: {  	[smem:$0x3FB4] =	sst s7  }
0x10: {  	[smem:$0x3FB5] =	sst s8  }
0x11: {  	[smem:$0x3FB6] =	sst s9;
	s0 =	simm.s32 @!p0 $0x0  }
0x12: {  	s1 =	sld [smem:$0x3F9C];
	s0 =	simm.s32 @p0 $0x1  }
0x13: {  	[smem:$0x3FB7] =	sst s0;
	s0 =	simm.s32 @!p1 $0x0  }
0x14: {  	s2 =	sld [smem:$0x3F9B];
	s0 =	simm.s32 @p1 $0x1  }
0x15: {  	[smem:$0x3FB8] =	sst s0;
	s0 =	simm.s32 @!p2 $0x0  }
0x16: {  	s3 =	sld [smem:$0x3FDB];
	s0 =	simm.s32 @p2 $0x1  }
0x17: {  	s4 =	simm.s32 $0x1BF5;
	[smem:$0x3FBA] =	sst s0  }
0x18: {  	s0 =	sld [smem:$0x3F9D];
	_ =	swait.ge [sflag:s4], $0x0  }
0x19: {  	s7 =	sld [smem:$0x3F9E]  }
0x1a: {  	s8 =	sadd.s32 $0xFFFFE003, lr  }
0x1b: {  	s9 =	sadd.s32 $0xFFFFFEF7, lr;
	s5 =	simm.s32 $0xFFFFFFFF;
	p2 =	slt.u32 s8, $0xFFFFF086  }
0x1c: {  	p1 =	slt.u32 s9, $0xF7A;
	s5 =	simm.s32 @!p2 $0x0  }
0x1d: {  	s5 =	simm.s32 @p1 $0x1;
	p0 =	seq.s32 s7, s2  }
0x1e: {  	s7 =	smul.u32 @!p0 $0xF7A, s2;
	p2 =	seq.s32 @!p0 s5, $0x0  }
0x1f: {  	s9 =	smul.u32 $0xF7A, s1;
	s8 =	simm.s32 @!p0 $0x1BF5;
	p2 =	por !p2, p0  }
0x20: {  	[sflag:s8] =	ssyncset.s32 @!p0 $0xFFFFF086;
	s6 =	sadd.s32 @!p0 s3, s7;
	s7 =	simm.s32 @!p0 $0x108  }
0x21: {  	s3 =	sadd.s32 s3, s9;
	s6 =	sadd.s32 @!p0 $0x88, s6;
	s7 =	simm.s32 @p2 $0x1082  }
0x22: {  	[simem:s7], [sflag:s8] =	dma.local @!p0 [hbm:s6], $0xF7A  }
0x23: {  	s9 =	sor.u32 $0xD0000000, s2;
	s6 =	simm.s32 $0x108;
	_ =	swait.ge @!p0 [sflag:s8], $0x0  }
0x24: {  	s3 =	sadd.s32 $0x88, s3;
	s6 =	simm.s32 @!p1 $0x1082;
	[sflag:s4] =	ssyncset.s32 $0xFFFFF086  }
0x25: {  	[simem:s6], [sflag:s4] =	dma.local [hbm:s3], $0xF7A  }
0x26: {  	[smem:$0x3F9E] =	sst s1;
	(tag) =	ssettag s2;
	_ =	strace s9  }
0x27: {  	s1 =	sld [smem:$0x3FAE]  }
0x28: {  	s2 =	sld [smem:$0x3FAF]  }
0x29: {  	s4 =	sld [smem:$0x3FB1]  }
0x2a: {  	p0 =	seq.s32 s5, $0x0;
	s5 =	sld [smem:$0x3FB2]  }
0x2b: {  	s6 =	sld [smem:$0x3FB3]  }
0x2c: {  	s7 =	sld [smem:$0x3FB4]  }
0x2d: {  	s3 =	simm.s32 $0x108;
	s8 =	sld [smem:$0x3FB5]  }
0x2e: {  	s3 =	simm.s32 @!p0 $0x1082;
	s9 =	sld [smem:$0x3FB6]  }
0x2f: {  	lr =	sadd.s32 s0, s3;
	s0 =	sld [smem:$0x3FAD]  }
0x30: {  	s3 =	sld [smem:$0x3FB0]  }
0x31: {  	[smem:$0x3FB9] =	sst s10  }
0x32: {  	s10 =	sld [smem:$0x3FB7];
	_ =	sdelay $0x3  }
0x33: {  	p0 =	seq.s32 s10, $0x1;
	s10 =	sld [smem:$0x3FB9];
	_ =	sdelay $0x3  }
0x34: {  	[smem:$0x3FB9] =	sst s10  }
0x35: {  	s10 =	sld [smem:$0x3FB8];
	_ =	sdelay $0x3  }
0x36: {  	p1 =	seq.s32 s10, $0x1;
	s10 =	sld [smem:$0x3FB9];
	_ =	sdelay $0x3  }
0x37: {  	[smem:$0x3FB9] =	sst s10  }
0x38: {  	s10 =	sld [smem:$0x3FBA]  }
0x39: {  	_ = 	snop;
	(pc) =	sbr.ind lr, $3  }
0x3a: {  	_ = 	snop  }
0x3b: {  	_ = 	snop  }
0x3c: {  	p2 =	seq.s32 s10, $0x1;
	s10 =	sld [smem:$0x3FB9]  }
0x3d: {  	_ =	shalt  }
0x3e: {  	_ =	shalt  }
0x3f: {  	_ =	shalt  }
0x40: {  	_ =	shalt  }
0x41: {  	_ =	shalt  }
0x42: {  	_ =	shalt  }
0x43: {  	_ =	shalt  }
0x44: {  	_ =	shalt  }
0x45: {  	_ =	shalt  }
0x46: {  	_ =	shalt  }
0x47: {  	_ =	shalt  }
0x48: {  	_ =	shalt  }
0x49: {  	_ =	shalt  }
0x4a: {  	_ =	shalt  }
0x4b: {  	_ =	shalt  }
0x4c: {  	_ =	shalt  }
0x4d: {  	_ =	shalt  }
0x4e: {  	_ =	shalt  }
0x4f: {  	_ =	shalt  }
0x50: {  	_ =	shalt  }
0x51: {  	_ =	shalt  }
0x52: {  	_ =	shalt  }
0x53: {  	_ =	shalt  }
0x54: {  	_ =	shalt  }
0x55: {  	_ =	shalt  }
0x56: {  	_ =	shalt  }
0x57: {  	_ =	shalt  }
0x58: {  	_ =	shalt  }
0x59: {  	_ =	shalt  }
0x5a: {  	_ =	shalt  }
0x5b: {  	_ =	shalt  }
0x5c: {  	_ =	shalt  }
0x5d: {  	_ =	shalt  }
0x5e: {  	_ =	shalt  }
0x5f: {  	_ =	shalt  }
0x60: {  	_ =	shalt  }
0x61: {  	_ =	shalt  }
0x62: {  	_ =	shalt  }
0x63: {  	_ =	shalt  }
0x64: {  	_ =	shalt  }
0x65: {  	_ =	shalt  }
0x66: {  	_ =	shalt  }
0x67: {  	_ =	shalt  }
0x68: {  	_ =	shalt  }
0x69: {  	_ =	shalt  }
0x6a: {  	_ =	shalt  }
0x6b: {  	_ =	shalt  }
0x6c: {  	_ =	shalt  }
0x6d: {  	_ =	shalt  }
0x6e: {  	_ =	shalt  }
0x6f: {  	_ =	shalt  }
0x70: {  	_ =	shalt  }
0x71: {  	_ =	shalt  }
0x72: {  	_ =	shalt  }
0x73: {  	_ =	shalt  }
0x74: {  	_ =	shalt  }
0x75: {  	_ =	shalt  }
0x76: {  	_ =	shalt  }
0x77: {  	_ =	shalt  }
0x78: {  	_ =	shalt  }
0x79: {  	_ =	shalt  }
0x7a: {  	_ =	shalt  }
0x7b: {  	_ =	shalt  }
0x7c: {  	_ =	shalt  }
0x7d: {  	_ =	shalt  }
0x7e: {  	_ =	shalt  }
0x7f: {  	_ =	shalt  }
0x80: {  	_ =	shalt  }
0x81: {  	_ =	shalt  }
0x82: {  	_ =	shalt  }
0x83: {  	_ =	shalt  }
0x84: {  	_ =	shalt  }
0x85: {  	_ =	shalt  }
0x86: {  	_ =	shalt  }
0x87: {  	_ =	shalt  }
.Lfunc_end0:
.L_simem_size_0:
called_computation_lowered:
.L_overlay_start_0:
0x88: {  	s2 =	sld [smem:$0x3FD9]  }
0x89: {  	s3 =	sld [smem:$0x3FFE];
	_ =	sdelay $0x1  }
0x8a: {  	s1 =	srdreg.scid  }
0x8b: {  	s0 =	sand.u32 $0x1, s1  }
0x8c: {  	s17 =	sshll.u32 s0, $0xA;
	s2 =	sadd.s32 s3, s2  }
0x8d: {  	s2 =	sadd.s32 s2, s17  }
0x8e: {  	[smem:$0x3FC5] =	sst s2  }
0x8f: {  	_ = 	snop  }
0x90: {  	s2 =	sld [smem:$0x3FC9]  }
0x91: {  	s18 =	sld [smem:$0x3FC8];
	(tm) =	ssettm $0x1  }
0x92: {  	s4 =	sld [smem:$0x3FFB];
	_ =	sdelay $0x3  }
0x93: {  	_ =	strace s4  }
0x94: {  	s4 =	sld [smem:$0x3FFC];
	_ =	sdelay $0x3  }
0x95: {  	_ =	strace s4  }
0x96: {  	s4 =	sld [smem:$0x3FFD];
	_ =	sdelay $0x3  }
0x97: {  	_ =	strace s4  }
0x98: {  	_ =	strace $0x8FFFFFFF  }
0x99: {  	s19 =	sld [smem:$0x3FDB];
	_ =	sdelay $0x1  }
0x9a: {  	s5 =	simm.s32 $_scs_section_size  }
0x9b: {  	s6 =	simm.s32 $_size__tile_overlayer_lowered;
	s7 =	simm.s32 $_tile_overlayer_lowered  }
0x9c: {  	s22 =	simm.s32 $0x1BFF;
	s21 =	sshll.u32 s7, $0x1;
	s4 =	sadd.s32 s5, s19  }
0x9d: {  	s8 =	simm.s32 $0x0;
	s20 =	sshll.u32 s6, $0x1;
	s6 =	sadd.s32 s21, s4  }
0x9e: {  	[timem:s8], [sflag:s22] =	dma.local [hbm:s6], s20  }
0x9f: {  	_ =	swait.ge [sflag:s22], s20  }
0xa0: {  	s5 =	ssub.s32 $0x0, s20;
	[sflag:s22] =	ssyncset.done $0x0  }
0xa1: {  	[sflag:s22] =	ssyncadd.s32 s5;
	_ =	sdelay $0x1  }
0xa2: {  	s23 =	simm.s32 $0x1B8B  }
0xa3: {  	_ =	swait.ge [sflag:s23], $0x1  }
0xa4: {  	[sflag:s23] =	ssyncset.done $0x0  }
0xa5: {  	s25 =	simm.s32 $0x1B8E;
	s24 =	sld [smem:$0x3FFE];
	[sflag:s23] =	ssyncadd.s32 $0xFFFFFFFF  }
0xa6: {  	s26 =	simm.s32 $execute0_lowered;
	[smem:$0x3FD2] =	sst s25  }
0xa7: {  	s6 =	sshll.u32 s26, $0x1;
	_ =	strace $0x80000046;
	[dreg:$0x1] =	wrdreg $0xFFFFFFFF  }
0xa8: {  	s28 =	simm.s32 $_size_execute0_lowered;
	s4 =	sadd.s32 s4, s6;
	[dreg:$0x0] =	wrdreg $0x0  }
0xa9: {  	s6 =	sshll.u32 s28, $0x1;
	[dreg:$0x2] =	wrdreg s4  }
0xaa: {  	[dreg:$0x3] =	wrdreg s6  }
0xab: {  	[dreg:$0x4] =	wrdreg $0xC0  }
0xac: {  	_ =	task [dreg:s8], $0x5FFFF  }
0xad: {  	[dreg:$0x1] =	wrdreg $0xFFFFFFFF  }
0xae: {  	[dreg:$0x0] =	wrdreg $0x60  }
0xaf: {  	[dreg:$0x2] =	wrdreg s2  }
0xb0: {  	[dreg:$0x3] =	wrdreg s18  }
0xb1: {  	[dreg:$0x4] =	wrdreg s24  }
0xb2: {  	[dreg:$0x5] =	wrdreg $0x0  }
0xb3: {  	[dreg:$0x6] =	wrdreg $0x9  }
0xb4: {  	_ =	task.clear_ibuf [dreg:s8], $0x7FFFF;
	_ =	strace $0x90000046  }
0xb5: {  	s29 =	simm.s32 $0x9;
	_ =	strace $0x80000048  }
0xb6: {  	_ =	swait.ge [sflag:s29], $0x1  }
0xb7: {  	[sflag:s29] =	ssyncadd.s32 $0xFFFFFFFF  }
0xb8: {  	_ =	strace $0x90000048  }
0xb9: {  	_ =	sfence  }
0xba: {  	s30 =	sld [smem:$0x0];
	_ =	sdelay $0x2  }
0xbb: {  	s31 =	sshll.u32 s1, $0xD;
	s1 =	sshrl.u32 s1, $0x2  }
0xbc: {  	s3 =	sand.u32 $0x4000, s31;
	s1 =	sadd.s32 s1, s30  }
0xbd: {  	s0 =	sor.u32 s3, s0;
	s1 =	sshll.u32 s1, $0x11  }
0xbe: {  	s0 =	sor.u32 s1, s0  }
0xbf: {  	s0 =	sadd.s32 $0x8F2B, s0  }
0xc0: {  	[sflag:s0] =	ssyncadd.remote.s32 $0x1  }
0xc1: {  	_ =	sfence.sel $0xFFFF  }
0xc2: {  	[dreg:$0x0] =	wrdreg $0xFFFFFFFF;
	(pc) =	sbr.abs _section_cstart, $3  }
0xc3: {  	[dreg:$0x1] =	wrdreg $0xFFFFFFFF  }
0xc4: {  	_ =	task.clear_ibuf [dreg:s8], $0x2FFFF;
	_ =	strace $0x9FFFFFFF  }
0xc5: {  	(tm) =	ssettm $0x7FFFFFFF  }
tec
execute0_lowered:
.L_overlay_start_1:
0x0: {  	(tag) =	ssettag $0x1  }
0x1: {  	s1 =	rddreg [dreg:$0x0]  }
0x2: {  	s2 =	rddreg [dreg:$0x1]  }
0x3: {  	s0 =	rddreg [dreg:$0x2]  }
0x4: {  	s3 =	rddreg [dreg:$0x3];
	s4 =	simm.s32 $0x0  }
0x5: {  	s5 =	srdreg.scid;
	s11 =	stileid.u32;
	s12 =	simm.s32 $0x13000  }
0x6: {  	s13 =	simm.s32 $0x4;
	s14 =	simm.s32 $0x0;
	[smem:$0x7FF] =	sst s4  }
0x7: {  	s5 =	sand.u32 $0x1, s5;
	s6 =	sadd.s32 $0xE00, s0;
	s0 =	sadd.s32 $0x20E00, s0  }
0x8: {  	s7 =	sshll.u32 s11, $0xF;
	s17 =	sshll.u32 s11, $0x12;
	s21 =	sshll.u32 s11, $0xD  }
0x9: {  	s11 =	simm.s32 $0x5;
	_ =	strace $0x80000047;
	[dreg:$0x5] =	wrdreg s6  }
0xa: {  	s15 =	ssub.s32 $0x2, s5;
	[dreg:$0x6] =	wrdreg s0;
	s8 =	sor.u32 $0x200, s7  }
0xb: {  	s9 =	sadd.s32 s2, s7;
	s19 =	sshrl.u32 s17, $0x2;
	s7 =	sadd.s32 s1, s7  }
0xc: {  	[dreg:$0xb] =	wrdreg s21;
	p0 =	sne.s32 s5, $0x0;
	p1 =	seq.s32 s5, $0x0  }
0xd: {  	s6 =	simm.s32 $0x11000;
	s5 =	simm.s32 $0x1;
	s16 =	sshrl.u32 s15, $0x1  }
0xe: {  	[dreg:$0x7] =	wrdreg s9;
	s18 =	sadd.s32 s2, s8;
	s10 =	sadd.s32 s19, s3  }
0xf: {  	[dreg:$0x9] =	wrdreg s7;
	s20 =	sadd.s32 s1, s8;
	s7 =	simm.s32 $0x12000  }
0x10: {  	s8 =	simm.s32 $0x1000;
	s9 =	simm.s32 $0x2;
	[dreg:$0x8] =	wrdreg s18  }
0x11: {  	s0 =	ssub.s32 s15, s16;
	[dreg:$0xa] =	wrdreg s20;
	s22 =	sadd.s32 $0x1000, s10  }
0x12: {  	s23 =	sadd.s32 $0x2000, s10;
	s24 =	sadd.s32 $0x3000, s10;
	s25 =	sadd.s32 $0x4000, s10  }
0x13: {  	s26 =	sadd.s32 $0x5000, s10;
	s20 =	sadd.s32 $0x6000, s10;
	[dreg:$0xd] =	wrdreg s22  }
0x14: {  	s21 =	sadd.s32 $0x7000, s10;
	s16 =	sor.u32 $0x3000, s17;
	[dreg:$0xe] =	wrdreg s23  }
.Ltmp0:
0x15: {  	s28 =	sadd.s32 $0xC000, s10;
	[dreg:$0xf] =	wrdreg s24;
	(pc) =	sbr.rel .LBB2_1-.Ltmp0, $4  }
0x16: {  	s29 =	sadd.s32 $0xD000, s10;
	s30 =	sadd.s32 $0xE000, s10;
	[dreg:$0x10] =	wrdreg s25  }
0x17: {  	s31 =	sadd.s32 $0xF000, s10;
	s0 =	smax.u32 s0, $0x1;
	[dreg:$0x11] =	wrdreg s26  }
0x18: {  	s22 =	sadd.s32 $0x8000, s10;
	s23 =	sadd.s32 $0x9000, s10;
	s24 =	sadd.s32 $0xA000, s10  }
0x19: {  	v0 =	vimm.f32 $0.0e+00;
	v1 =	vimm.f32 $1.000000000e+00;
	s26 =	sadd.s32 $0xB000, s10;
	[dreg:$0xc] =	wrdreg s0;
	s0 =	simm.s32 $0x10000  }
.LBB2_16:
0x1a: {  	s15 =	rddreg [dreg:$0x6]  }
.LBB2_17:
0x1b: {  	s17 =	rddreg [dreg:$0xb];
	s19 =	stileid.u32  }
0x1c: {  	s15 =	sadd.s32 s15, s17;
	s17 =	sshll.u32 s19, $0x6  }
0x1d: {  	[bflag:$0x0] =	sbarrier.arrive $0xFFFF;
	s18 =	sshrl.u32 s10, $0x3;
	s17 =	sor.u32 $0x1C05, s17  }
0x1e: {  	[hbm:s15], [sflag:s17] =	dma.local [spmem:s18], $0x2000  }
0x1f: {  	_ =	swait.ge [sflag:s11], $0x2000  }
0x20: {  	s14 =	sadd.s32 $0x1, s14;
	s25 =	rddreg [dreg:$0xc]  }
0x21: {  	p2 =	sne.s32 s14, s25  }
.Ltmp1:
0x22: {  	_ = 	snop;
	(pc) =	sbr.rel @!p2 .LBB2_18-.Ltmp1, $3  }
0x23: {  	_ =	sdelay $0x1  }
0x24: {  	[sflag:s11] =	ssyncset.done $0x0  }
0x25: {  	[sflag:s11] =	ssyncadd.s32 $0xFFFFE000  }
.LBB2_1:
0x26: {  	s15 =	rddreg [dreg:$0x7]  }
0x27: {  	[tilespmem:s0], [sflag:$0x1] =	stream.linear.gather [hbm4b:s15+s4], $0x1000, $0x38;
	[tilespmem:$0x14000] =	vst v63  }
0x28: {  	s25 =	rddreg [dreg:$0x8]  }
0x29: {  	[tilespmem:s6], [sflag:$0x2] =	stream.linear.gather [hbm4b:s25+s4], $0x1000, $0x38;
	[tilespmem:$0x14000] =	vst v63  }
0x2a: {  	s15 =	simm.s32 $0x40;
	s25 =	simm.s32 $0x0  }
.LBB2_2:
0x2b: {  	p2 =	sne.s32 s15, $0x3FC0;
	[tilespmem:s25+$0x12000] =	vst v0;
	s17 =	smov.u32 s15;
	s15 =	sadd.s32 $0x40, s15  }
.Ltmp2:
0x2c: {  	(pc) =	sbr.rel @p2 .LBB2_2-.Ltmp2, $2  }
0x2d: {  	_ =	sdelay $0x2  }
0x2e: {  	s25 =	sshra.s32 s17, $0x2  }
0x2f: {  	[tilespmem:s25+$0x12000] =	vst v0  }
0x30: {  	[spmem:s10] =	stream.linear.scatter [tilespmem:s7], [sflag:$0x5], $0x1000, $0x38;
	[tilespmem:$0x14000] =	vst v63  }
0x31: {  	_ =	swait.ge [sflag:s11], $0x1000  }
0x32: {  	[sflag:s11] =	ssyncset.done $0x0  }
0x33: {  	s15 =	rddreg [dreg:$0xd];
	[sflag:s11] =	ssyncadd.s32 $0xFFFFF000  }
0x34: {  	[spmem:s15] =	stream.linear.scatter [tilespmem:s7], [sflag:$0x5], $0x1000, $0x38;
	[tilespmem:$0x14000] =	vst v63  }
0x35: {  	_ =	swait.ge [sflag:s11], $0x1000  }
0x36: {  	[sflag:s11] =	ssyncset.done $0x0  }
0x37: {  	s17 =	rddreg [dreg:$0xe];
	[sflag:s11] =	ssyncadd.s32 $0xFFFFF000  }
0x38: {  	[spmem:s17] =	stream.linear.scatter [tilespmem:s7], [sflag:$0x5], $0x1000, $0x38;
	[tilespmem:$0x14000] =	vst v63  }
0x39: {  	_ =	swait.ge [sflag:s11], $0x1000  }
0x3a: {  	[sflag:s11] =	ssyncset.done $0x0  }
0x3b: {  	s18 =	rddreg [dreg:$0xf];
	[sflag:s11] =	ssyncadd.s32 $0xFFFFF000  }
0x3c: {  	[spmem:s18] =	stream.linear.scatter [tilespmem:s7], [sflag:$0x5], $0x1000, $0x38;
	[tilespmem:$0x14000] =	vst v63  }
0x3d: {  	_ =	swait.ge [sflag:s11], $0x1000  }
0x3e: {  	[sflag:s11] =	ssyncset.done $0x0  }
0x3f: {  	s19 =	rddreg [dreg:$0x10];
	[sflag:s11] =	ssyncadd.s32 $0xFFFFF000  }
0x40: {  	[spmem:s19] =	stream.linear.scatter [tilespmem:s7], [sflag:$0x5], $0x1000, $0x38;
	[tilespmem:$0x14000] =	vst v63  }
0x41: {  	_ =	swait.ge [sflag:s11], $0x1000  }
0x42: {  	[sflag:s11] =	ssyncset.done $0x0  }
0x43: {  	s25 =	rddreg [dreg:$0x11];
	[sflag:s11] =	ssyncadd.s32 $0xFFFFF000  }
0x44: {  	[spmem:s25] =	stream.linear.scatter [tilespmem:s7], [sflag:$0x5], $0x1000, $0x38;
	[tilespmem:$0x14000] =	vst v63  }
0x45: {  	_ =	swait.ge [sflag:s11], $0x1000  }
0x46: {  	[sflag:s11] =	ssyncset.done $0x0  }
0x47: {  	[sflag:s11] =	ssyncadd.s32 $0xFFFFF000  }
0x48: {  	[spmem:s20] =	stream.linear.scatter [tilespmem:s7], [sflag:$0x5], $0x1000, $0x38;
	[tilespmem:$0x14000] =	vst v63  }
0x49: {  	_ =	swait.ge [sflag:s11], $0x1000  }
0x4a: {  	[sflag:s11] =	ssyncset.done $0x0  }
0x4b: {  	[sflag:s11] =	ssyncadd.s32 $0xFFFFF000  }
0x4c: {  	[spmem:s21] =	stream.linear.scatter [tilespmem:s7], [sflag:$0x5], $0x1000, $0x38;
	[tilespmem:$0x14000] =	vst v63  }
0x4d: {  	_ =	swait.ge [sflag:s11], $0x1000  }
0x4e: {  	[sflag:s11] =	ssyncset.done $0x0  }
0x4f: {  	[sflag:s11] =	ssyncadd.s32 $0xFFFFF000  }
0x50: {  	[spmem:s22] =	stream.linear.scatter [tilespmem:s7], [sflag:$0x5], $0x1000, $0x38;
	[tilespmem:$0x14000] =	vst v63  }
0x51: {  	_ =	swait.ge [sflag:s11], $0x1000  }
0x52: {  	[sflag:s11] =	ssyncset.done $0x0  }
0x53: {  	[sflag:s11] =	ssyncadd.s32 $0xFFFFF000  }
0x54: {  	[spmem:s23] =	stream.linear.scatter [tilespmem:s7], [sflag:$0x5], $0x1000, $0x38;
	[tilespmem:$0x14000] =	vst v63  }
0x55: {  	_ =	swait.ge [sflag:s11], $0x1000  }
0x56: {  	[sflag:s11] =	ssyncset.done $0x0  }
0x57: {  	[sflag:s11] =	ssyncadd.s32 $0xFFFFF000  }
0x58: {  	[spmem:s24] =	stream.linear.scatter [tilespmem:s7], [sflag:$0x5], $0x1000, $0x38;
	[tilespmem:$0x14000] =	vst v63  }
0x59: {  	_ =	swait.ge [sflag:s11], $0x1000  }
0x5a: {  	[sflag:s11] =	ssyncset.done $0x0  }
0x5b: {  	[sflag:s11] =	ssyncadd.s32 $0xFFFFF000  }
0x5c: {  	[spmem:s26] =	stream.linear.scatter [tilespmem:s7], [sflag:$0x5], $0x1000, $0x38;
	[tilespmem:$0x14000] =	vst v63  }
0x5d: {  	_ =	swait.ge [sflag:s11], $0x1000  }
0x5e: {  	[sflag:s11] =	ssyncset.done $0x0  }
0x5f: {  	[sflag:s11] =	ssyncadd.s32 $0xFFFFF000  }
0x60: {  	[spmem:s28] =	stream.linear.scatter [tilespmem:s7], [sflag:$0x5], $0x1000, $0x38;
	[tilespmem:$0x14000] =	vst v63  }
0x61: {  	_ =	swait.ge [sflag:s11], $0x1000  }
0x62: {  	[sflag:s11] =	ssyncset.done $0x0  }
0x63: {  	[sflag:s11] =	ssyncadd.s32 $0xFFFFF000  }
0x64: {  	[spmem:s29] =	stream.linear.scatter [tilespmem:s7], [sflag:$0x5], $0x1000, $0x38;
	[tilespmem:$0x14000] =	vst v63  }
0x65: {  	_ =	swait.ge [sflag:s11], $0x1000  }
0x66: {  	[sflag:s11] =	ssyncset.done $0x0  }
0x67: {  	[sflag:s11] =	ssyncadd.s32 $0xFFFFF000  }
0x68: {  	[spmem:s30] =	stream.linear.scatter [tilespmem:s7], [sflag:$0x5], $0x1000, $0x38;
	[tilespmem:$0x14000] =	vst v63  }
0x69: {  	_ =	swait.ge [sflag:s11], $0x1000  }
0x6a: {  	[sflag:s11] =	ssyncset.done $0x0  }
.Ltmp3:
0x6b: {  	[sflag:s11] =	ssyncadd.s32 $0xFFFFF000;
	(pc) =	sbr.rel @p0 .LBB2_5-.Ltmp3, $4  }
0x6c: {  	[spmem:s31] =	stream.linear.scatter [tilespmem:s7], [sflag:$0x5], $0x1000, $0x38;
	[tilespmem:$0x14000] =	vst v63  }
0x6d: {  	_ =	swait.ge [sflag:s11], $0x1000  }
0x6e: {  	[sflag:s11] =	ssyncset.done $0x0  }
0x6f: {  	[sflag:s11] =	ssyncadd.s32 $0xFFFFF000  }
.Ltmp4:
0x70: {  	(pc) =	sbr.rel .LBB2_8-.Ltmp4, $4  }
0x71: {  	s15 =	rddreg [dreg:$0x9]  }
0x72: {  	[tilespmem:s7], [sflag:$0x3] =	stream.linear.gather [hbm4b:s15+s4], $0x1000, $0x38;
	[tilespmem:$0x14000] =	vst v63  }
0x73: {  	s25 =	rddreg [dreg:$0xa]  }
0x74: {  	[tilespmem:s12], [sflag:$0x4] =	stream.linear.gather [hbm4b:s25+s4], $0x1000, $0x38;
	[tilespmem:$0x14000] =	vst v63  }
.LBB2_5:
0x75: {  	s15 =	simm.s32 $0x40;
	s25 =	simm.s32 $0x0  }
.LBB2_6:
0x76: {  	p2 =	sne.s32 s15, $0x3FC0;
	[tilespmem:s25+$0x12000] =	vst v1;
	s17 =	smov.u32 s15;
	s15 =	sadd.s32 $0x40, s15  }
.Ltmp5:
0x77: {  	(pc) =	sbr.rel @p2 .LBB2_6-.Ltmp5, $2  }
0x78: {  	_ =	sdelay $0x2  }
0x79: {  	s25 =	sshra.s32 s17, $0x2  }
0x7a: {  	[tilespmem:s25+$0x12000] =	vst v1  }
.LBB2_8:
.Ltmp6:
0x7b: {  	(pc) =	sbr.rel .LBB2_9-.Ltmp6, $3  }
0x7c: {  	_ =	sdelay $0x1  }
0x7d: {  	[bflag:$0x0] =	sbarrier.arrive $0xFFFF  }
0x7e: {  	s15 =	simm.s32 $0x1F;
	s25 =	smov.u32 s16  }
.LBB2_19:
0x7f: {  	_ =	swait.ge [sflag:s9], $0x1000  }
0x80: {  	[sflag:s9] =	ssyncset.done $0x0  }
0x81: {  	[sflag:s9] =	ssyncadd.s32 $0xFFFFF000  }
.LBB2_15:
.Ltmp7:
0x82: {  	(pc) =	sbr.rel @p2 .LBB2_16-.Ltmp7, $4  }
0x83: {  	[spmem:s3] =	stream.indirect.scatter.add.f32 [tilespmem:s7], [sflag:$0x5], $0x1, s6, s8, $0xb8;
	[tilespmem:$0x14000] =	vst v63  }
0x84: {  	_ =	swait.ge [sflag:s11], $0x1000  }
0x85: {  	[sflag:s11] =	ssyncset.done $0x0  }
0x86: {  	[sflag:s11] =	ssyncadd.s32 $0xFFFFF000  }
.LBB2_20:
0x87: {  	s17 =	sshrl.u32 s25, $0x3  }
0x88: {  	s19 =	simm.s32 @!p0 $0x13000;
	s25 =	sadd.s32 $0x2000, s25;
	s18 =	sadd.s32 s2, s17  }
0x89: {  	[tilespmem:s6], [sflag:$0x2] =	stream.linear.gather [hbm4b:s18+s4], $0x1000, $0x38;
	[tilespmem:$0x14000] =	vst v63  }
0x8a: {  	s15 =	sadd.s32 $0xFFFFFFFF, s15;
	s17 =	sadd.s32 @!p0 s1, s17;
	s18 =	simm.s32 @!p0 $0x0  }
0x8b: {  	[tilespmem:s19], [sflag:$0x4] =	stream.linear.gather @!p0 [hbm4b:s17+s18], $0x1000, $0x38;
	[tilespmem:$0x14000] =	vst v63  }
.LBB2_9:
0x8c: {  	_ =	swait.ge [sflag:s5], $0x1000  }
0x8d: {  	[sflag:s5] =	ssyncset.done $0x0  }
0x8e: {  	s17 =	simm.s32 @!p0 $0x3;
	[sflag:s5] =	ssyncadd.s32 $0xFFFFF000  }
0x8f: {  	_ =	swait.ge @!p0 [sflag:s17], $0x1000  }
0x90: {  	p2 =	seq.s32 s15, $0x0;
	[sflag:s17] =	ssyncset.done @!p0 $0x0  }
.Ltmp8:
0x91: {  	[sflag:s17] =	ssyncadd.s32 @!p0 $0xFFFFF000;
	(pc) =	sbr.rel @p2 .LBB2_14-.Ltmp8, $4  }
0x92: {  	[spmem:s3] =	stream.indirect.scatter.add.f32 [tilespmem:s7], [sflag:$0x5], $0x1, s0, s8, $0xb8;
	[tilespmem:$0x14000] =	vst v63  }
0x93: {  	_ =	swait.ge [sflag:s11], $0x1000  }
0x94: {  	[sflag:s11] =	ssyncset.done $0x0  }
0x95: {  	[sflag:s11] =	ssyncadd.s32 $0xFFFFF000  }
.Ltmp9:
0x96: {  	(pc) =	sbr.rel @p0 .LBB2_19-.Ltmp9, $4  }
0x97: {  	s17 =	sadd.s32 $0xFFFFF000, s25  }
0x98: {  	s17 =	sshrl.u32 s17, $0x3  }
0x99: {  	s18 =	sadd.s32 s2, s17  }
0x9a: {  	[tilespmem:s0], [sflag:$0x1] =	stream.linear.gather [hbm4b:s18+s4], $0x1000, $0x38;
	[tilespmem:$0x14000] =	vst v63  }
.Ltmp10:
0x9b: {  	s17 =	sadd.s32 s1, s17;
	(pc) =	sbr.rel .LBB2_12-.Ltmp10, $4  }
0x9c: {  	[tilespmem:s7], [sflag:$0x3] =	stream.linear.gather [hbm4b:s17+s4], $0x1000, $0x38;
	[tilespmem:$0x14000] =	vst v63  }
0x9d: {  	_ =	swait.ge [sflag:s9], $0x1000  }
0x9e: {  	[sflag:s9] =	ssyncset.done $0x0  }
0x9f: {  	[sflag:s9] =	ssyncadd.s32 $0xFFFFF000  }
.LBB2_14:
.Ltmp11:
0xa0: {  	(pc) =	sbr.rel @!p1 .LBB2_15-.Ltmp11, $4  }
0xa1: {  	_ = 	snop  }
0xa2: {  	_ =	swait.ge [sflag:s9], $0x1000  }
0xa3: {  	[sflag:s9] =	ssyncset.done $0x0  }
0xa4: {  	[sflag:s9] =	ssyncadd.s32 $0xFFFFF000  }
.LBB2_12:
0xa5: {  	_ =	swait.ge [sflag:s13], $0x1000  }
0xa6: {  	[sflag:s13] =	ssyncset.done $0x0  }
.Ltmp12:
0xa7: {  	[sflag:s13] =	ssyncadd.s32 $0xFFFFF000;
	(pc) =	sbr.rel @!p2 .LBB2_20-.Ltmp12, $4  }
0xa8: {  	[spmem:s3] =	stream.indirect.scatter.add.f32 [tilespmem:s12], [sflag:$0x5], $0x1, s6, s8, $0xb8;
	[tilespmem:$0x14000] =	vst v63  }
0xa9: {  	_ =	swait.ge [sflag:s11], $0x1000  }
0xaa: {  	[sflag:s11] =	ssyncset.done $0x0  }
0xab: {  	[sflag:s11] =	ssyncadd.s32 $0xFFFFF000  }
.Ltmp13:
0xac: {  	(pc) =	sbr.rel .LBB2_17-.Ltmp13, $2  }
0xad: {  	_ =	sdelay $0x2  }
0xae: {  	s15 =	rddreg [dreg:$0x5]  }
.LBB2_18:
0xaf: {  	_ =	sfence.sel $0x180000  }
0xb0: {  	[bflag:$0x0] =	sbarrier.arrive $0xFFFF  }
0xb1: {  	_ =	strace $0x90000047  }
0xb2: {  	s0 =	stileid.u32;
	[bflag:$0x2] =	sbarrier.arrive $0xFFFF  }
0xb3: {  	p0 =	sne.s32 s0, $0x0;
	s0 =	rddreg [dreg:$0x4]  }
0xb4: {  	s0 =	sadd.s32 @!p0 $0x100000, s0  }
0xb5: {  	[sflag:s0] =	ssyncadd.tile.s32 @!p0 $0x1;
	_ =	shalt  }
.Lfunc_end2:
_tile_overlayer_lowered:
.L_overlay_start_2:
0xb6: {  	(tag) =	ssettag $0x2  }
0xb7: {  	s0 =	rddreg [dreg:$0x0];
	s2 =	stileid.u32  }
0xb8: {  	s1 =	rddreg [dreg:$0x1];
	p0 =	sne.s32 s2, $0x0  }
0xb9: {  	s3 =	rddreg [dreg:$0x2];
	[bflag:$0x3] =	sbarrier.arrive $0xFFFF;
	s2 =	simm.s32 @!p0 $0x1C05  }
0xba: {  	[timem:s3], [sflag:s2] =	dma.local @!p0 [hbm:s0], s1  }
0xbb: {  	s0 =	simm.s32 @!p0 $0x5  }
0xbc: {  	_ =	swait.ge @!p0 [sflag:s0], s1  }
0xbd: {  	s1 =	ssub.s32 @!p0 $0x0, s1;
	[sflag:s0] =	ssyncset.done @!p0 $0x0  }
0xbe: {  	[sflag:s0] =	ssyncadd.s32 @!p0 s1  }
0xbf: {  	[bflag:$0x3] =	sbarrier.arrive $0xFFFF  }
0xc0: {  	_ =	shalt  }

</sc_bundles>
